<compile_context>
chip_gen: v7x
topology: tpu7x:2x2x1
jax: 0.10.2.dev20260603
libtpu: 0.0.44.dev20260713+nightly
codegen_flags: <defaults>
</compile_context>

<pallas_src>
import functools

import jax
import jax.numpy as jnp
from jax import lax
from jax.experimental import pallas as pl
from jax.experimental.pallas import tpu as pltpu
from jax.experimental.pallas import tpu_sc as plsc

MAX_DEPTH = 7
RES = 2 ** MAX_DEPTH
FEATURES_DIM = 32
TABLE_SIZE = 2 ** (3 * MAX_DEPTH)
N_POS = 16384

NUM_CORES = 2
NUM_SUBCORES = 16
NUM_WORKERS = NUM_CORES * NUM_SUBCORES
CHUNK = N_POS // NUM_WORKERS
NGRP = CHUNK // 16


@functools.cache
def _make_sc_gather():
    mesh = plsc.VectorSubcoreMesh(
        core_axis_name="c", subcore_axis_name="s",
        num_cores=NUM_CORES, num_subcores=NUM_SUBCORES,
    )

    @functools.partial(
        pl.kernel,
        out_type=jax.ShapeDtypeStruct((N_POS, FEATURES_DIM), jnp.float32),
        mesh=mesh,
        scratch_types=[
            pltpu.VMEM((CHUNK * 3,), jnp.float32),
            pltpu.VMEM_SHARED((NUM_SUBCORES, CHUNK * 3), jnp.float32),
            pltpu.SMEM((CHUNK * 3,), jnp.float32),
            pltpu.VMEM((CHUNK, FEATURES_DIM), jnp.float32),
            pltpu.SemaphoreType.DMA,
            pltpu.SemaphoreType.DMA,
            pltpu.SemaphoreType.DMA,
            pltpu.SemaphoreType.DMA,
            pltpu.SemaphoreType.DMA,
        ],
        compiler_params=pltpu.CompilerParams(
            needs_layout_passes=False,
            use_tc_tiling_on_sc=True,
        ),
    )
    def _sc_gather(pos_hbm, table_hbm, out_hbm,
                   pos_v, pos_sh, pos_s, rows_v,
                   sem_a, sem_b, sem_c, sem_d, sem_e):
        sid = lax.axis_index("s")
        wid = sid * NUM_CORES + lax.axis_index("c")
        base = wid * CHUNK

        pltpu.async_copy(
            pos_hbm.at[pl.ds(base * 3, CHUNK * 3)], pos_v, sem_a
        ).wait()
        pl.delay(2000)
        pltpu.async_copy(pos_v, pos_sh.at[sid], sem_b).wait()
        pl.delay(2000)
        pltpu.async_copy(pos_sh.at[sid], pos_s, sem_c).wait()
        pl.delay(2000)

        def trunc_idx(v):
            r = v.astype(jnp.int32)
            r = jnp.where(r.astype(jnp.float32) > v, r - 1, r)
            return jnp.clip(r, 0, RES - 1)

        def body(i, _):
            x = pos_s[3 * i]
            y = pos_s[3 * i + 1]
            z = pos_s[3 * i + 2]
            xi = trunc_idx(x * RES)
            yi = trunc_idx(y * RES)
            zi = trunc_idx(z * RES)
            flat = xi * (RES * RES) + yi * RES + zi
            pltpu.async_copy(
                table_hbm.at[flat >> 5, flat & 31],
                rows_v.at[i],
                sem_d,
            )
            return _

        lax.fori_loop(0, CHUNK, body, None)

        def drain(i, _):
            pltpu.make_async_copy(
                table_hbm.at[0, 0], rows_v.at[0], sem_d
            ).wait()
            return _

        lax.fori_loop(0, CHUNK, drain, None)

        pltpu.async_copy(
            rows_v, out_hbm.at[pl.ds(base, CHUNK)], sem_e
        ).wait()

    return _sc_gather


_BM = 2048


def _mlp_body(x_ref, w1t_ref, b1_ref, w2t_ref, b2_ref, rgb_ref, den_ref):
    x = x_ref[...]
    h = jnp.dot(x, w1t_ref[...], preferred_element_type=jnp.float32)
    h = jnp.maximum(h + b1_ref[...], 0.0)
    o = jnp.dot(h, w2t_ref[...], preferred_element_type=jnp.float32)
    o = o + b2_ref[...]
    rgb = o[:, :3]
    den = o[:, 3:4]
    rgb_ref[...] = jnp.where(
        rgb >= 0.0,
        1.0 / (1.0 + jnp.exp(-rgb)),
        jnp.exp(rgb) / (1.0 + jnp.exp(rgb)),
    )
    den_ref[...] = jnp.maximum(den, 0.0) + jnp.log1p(jnp.exp(-jnp.abs(den)))


_mlp = pl.pallas_call(
    _mlp_body,
    grid=(N_POS // _BM,),
    in_specs=[
        pl.BlockSpec((_BM, FEATURES_DIM), lambda i: (i, 0)),
        pl.BlockSpec((FEATURES_DIM, 64), lambda i: (0, 0)),
        pl.BlockSpec((1, 64), lambda i: (0, 0)),
        pl.BlockSpec((64, 4), lambda i: (0, 0)),
        pl.BlockSpec((1, 4), lambda i: (0, 0)),
    ],
    out_specs=[
        pl.BlockSpec((_BM, 3), lambda i: (i, 0)),
        pl.BlockSpec((_BM, 1), lambda i: (i, 0)),
    ],
    out_shape=[
        jax.ShapeDtypeStruct((N_POS, 3), jnp.float32),
        jax.ShapeDtypeStruct((N_POS, 1), jnp.float32),
    ],
)


@jax.jit
def _impl(positions, octree_features, W1, b1, W2, b2):
    pos_flat = positions.reshape(-1)
    table3 = octree_features.reshape(TABLE_SIZE // 32, 32, FEATURES_DIM)
    feats = _make_sc_gather()(pos_flat, table3)
    rgb, den = _mlp(
        feats, W1.T, b1.reshape(1, 64), W2.T, b2.reshape(1, 4)
    )
    return rgb, den


def kernel(positions, octree_features, W1, b1, W2, b2):
    return _impl(positions, octree_features, W1, b1, W2, b2)

# --- scband reference (transcript-rebuilt; emitter-appended) ---
"""Pipeline reference for scband-plen-octree-76132590289314 (READ-ONLY COPY).

The authoritative reference and input builder live on the scoring server;
editing this copy changes nothing except your own understanding.
"""

import jax, jax.numpy as jnp
import numpy as np

MAX_DEPTH = 7
FEATURES_DIM = 32
TABLE_SIZE = 2 ** (3 * MAX_DEPTH)


def setup_inputs(seed: int = 0) -> dict:
    key = jax.random.key(seed)
    k_pos, k_tab, k_w1, k_b1, k_w2, k_b2 = jax.random.split(key, 6)
    positions = jax.random.uniform(k_pos, (16384, 3), dtype=jnp.float32)
    octree_features = jax.random.normal(k_tab, (TABLE_SIZE, FEATURES_DIM), dtype=jnp.float32)
    # decoder: Linear(32 -> 64), ReLU, Linear(64 -> 4); torch default init approximated
    lim1 = 1.0 / np.sqrt(FEATURES_DIM)
    W1 = jax.random.uniform(k_w1, (64, FEATURES_DIM), minval=-lim1, maxval=lim1, dtype=jnp.float32)
    b1 = jax.random.uniform(k_b1, (64,), minval=-lim1, maxval=lim1, dtype=jnp.float32)
    lim2 = 1.0 / np.sqrt(64)
    W2 = jax.random.uniform(k_w2, (4, 64), minval=-lim2, maxval=lim2, dtype=jnp.float32)
    b2 = jax.random.uniform(k_b2, (4,), minval=-lim2, maxval=lim2, dtype=jnp.float32)
    return {"positions": positions, "octree_features": octree_features, "W1": W1, "b1": b1, "W2": W2, "b2": b2}


def reference(positions, octree_features, W1, b1, W2, b2):
    res = 2 ** MAX_DEPTH
    indices = jnp.clip((positions * res).astype(jnp.int64), 0, res - 1)
    flat_indices = indices[..., 0] * (res ** 2) + indices[..., 1] * res + indices[..., 2]
    features = jnp.take(octree_features, flat_indices, axis=0)
    h = jax.nn.relu(features @ W1.T + b1)
    output = h @ W2.T + b2
    rgb = jax.nn.sigmoid(output[..., :3])
    density = jax.nn.softplus(output[..., 3:4])
    return (rgb, density)

if __name__ == "__main__":
    import jax
    _d = setup_inputs()
    print(jax.jit(kernel)(*tuple(_d.values())))

</pallas_src>

<mosaic_0001>
#map = affine_map<(d0, d1) -> (0)>
#map1 = affine_map<(d0, d1) -> (0, 0, 0)>
#map2 = affine_map<(d0, d1) -> (0, 0)>
module attributes {stable_mosaic.version = 14 : i64} {
  func.func @_sc_gather(%arg0: i32, %arg1: i32, %arg2: memref<49152xf32, #tpu.memory_space<hbm>>, %arg3: memref<65536x32x32xf32, #tpu.memory_space<hbm>>, %arg4: memref<16384x32xf32, #tpu.memory_space<hbm>>, %arg5: memref<1536xf32, #tpu.memory_space<vmem>>, %arg6: memref<16x1536xf32, #tpu.memory_space<vmem_shared>>, %arg7: memref<1536xf32, #tpu.memory_space<smem>>, %arg8: memref<512x32xf32, #tpu.memory_space<vmem>>, %arg9: memref<!tpu.dma_semaphore, #tpu.memory_space<semaphore_mem>>, %arg10: memref<!tpu.dma_semaphore, #tpu.memory_space<semaphore_mem>>, %arg11: memref<!tpu.dma_semaphore, #tpu.memory_space<semaphore_mem>>, %arg12: memref<!tpu.dma_semaphore, #tpu.memory_space<semaphore_mem>>, %arg13: memref<!tpu.dma_semaphore, #tpu.memory_space<semaphore_mem>>) attributes {dimension_semantics = [#tpu.dimension_semantics<core_parallel>, #tpu.dimension_semantics<subcore_parallel>], iteration_bounds = array<i64: 2, 16>, scalar_prefetch = 0 : i64, scratch_operands = 9 : i64, tpu.core_type = #tpu.core_type<sc_vector_subcore>, window_params = [{transform_indices = #map}, {transform_indices = #map1}, {transform_indices = #map2}]} {
    %mul3A = arith.constant 2 : i32
    %mul3A_0 = arith.muli %arg1, %mul3A : i32
    %add3A = arith.addi %mul3A_0, %arg0 : i32
    %mul3A_1 = arith.constant 512 : i32
    %mul3A_2 = arith.muli %add3A, %mul3A_1 : i32
    %mul3A_3 = arith.constant 3 : i32
    %mul3A_4 = arith.muli %mul3A_2, %mul3A_3 : i32
    %dma_start3A = tpu.memref_slice %arg2[%mul3A_4] : memref<49152xf32, #tpu.memory_space<hbm>> -> memref<1536xf32, #tpu.memory_space<hbm>>
    %dma_start3A_5 = tpu.memref_slice %arg2[%mul3A_4] : memref<49152xf32, #tpu.memory_space<hbm>> -> memref<1536xf32, #tpu.memory_space<hbm>>
    tpu.enqueue_dma source(%dma_start3A_5 : memref<1536xf32, #tpu.memory_space<hbm>>) target(%arg5 : memref<1536xf32, #tpu.memory_space<vmem>>) target_semaphore(%arg9 : memref<!tpu.dma_semaphore, #tpu.memory_space<semaphore_mem>>)
    %dma_wait3A = tpu.memref_slice %arg2[%mul3A_4] : memref<49152xf32, #tpu.memory_space<hbm>> -> memref<1536xf32, #tpu.memory_space<hbm>>
    %dma_wait3A_6 = tpu.memref_slice %arg2[%mul3A_4] : memref<49152xf32, #tpu.memory_space<hbm>> -> memref<1536xf32, #tpu.memory_space<hbm>>
    tpu.wait_dma2 semaphore(%arg9 : memref<!tpu.dma_semaphore, #tpu.memory_space<semaphore_mem>>) src(%dma_wait3A_6 : memref<1536xf32, #tpu.memory_space<hbm>>) dst(%arg5 : memref<1536xf32, #tpu.memory_space<vmem>>)
    %delay3A = arith.constant 2000 : i32
    tpu.delay %delay3A
    %dma_start3A_7 = arith.constant 0 : i32
    %dma_start3A_8 = tpu.memref_slice %arg6[%arg1, %dma_start3A_7] : memref<16x1536xf32, #tpu.memory_space<vmem_shared>> -> memref<1x1536xf32, #tpu.memory_space<vmem_shared>>
    %dma_start3A_9 = tpu.memref_squeeze %dma_start3A_8 : memref<1x1536xf32, #tpu.memory_space<vmem_shared>> -> memref<1536xf32, #tpu.memory_space<vmem_shared>>
    %dma_start3A_10 = arith.constant 0 : i32
    %dma_start3A_11 = tpu.memref_slice %arg6[%arg1, %dma_start3A_10] : memref<16x1536xf32, #tpu.memory_space<vmem_shared>> -> memref<1x1536xf32, #tpu.memory_space<vmem_shared>>
    %dma_start3A_12 = tpu.memref_squeeze %dma_start3A_11 : memref<1x1536xf32, #tpu.memory_space<vmem_shared>> -> memref<1536xf32, #tpu.memory_space<vmem_shared>>
    tpu.enqueue_dma source(%arg5 : memref<1536xf32, #tpu.memory_space<vmem>>) target(%dma_start3A_12 : memref<1536xf32, #tpu.memory_space<vmem_shared>>) target_semaphore(%arg10 : memref<!tpu.dma_semaphore, #tpu.memory_space<semaphore_mem>>)
    %dma_wait3A_13 = arith.constant 0 : i32
    %dma_wait3A_14 = tpu.memref_slice %arg6[%arg1, %dma_wait3A_13] : memref<16x1536xf32, #tpu.memory_space<vmem_shared>> -> memref<1x1536xf32, #tpu.memory_space<vmem_shared>>
    %dma_wait3A_15 = tpu.memref_squeeze %dma_wait3A_14 : memref<1x1536xf32, #tpu.memory_space<vmem_shared>> -> memref<1536xf32, #tpu.memory_space<vmem_shared>>
    %dma_wait3A_16 = arith.constant 0 : i32
    %dma_wait3A_17 = tpu.memref_slice %arg6[%arg1, %dma_wait3A_16] : memref<16x1536xf32, #tpu.memory_space<vmem_shared>> -> memref<1x1536xf32, #tpu.memory_space<vmem_shared>>
    %dma_wait3A_18 = tpu.memref_squeeze %dma_wait3A_17 : memref<1x1536xf32, #tpu.memory_space<vmem_shared>> -> memref<1536xf32, #tpu.memory_space<vmem_shared>>
    tpu.wait_dma2 semaphore(%arg10 : memref<!tpu.dma_semaphore, #tpu.memory_space<semaphore_mem>>) src(%arg5 : memref<1536xf32, #tpu.memory_space<vmem>>) dst(%dma_wait3A_18 : memref<1536xf32, #tpu.memory_space<vmem_shared>>)
    %delay3A_19 = arith.constant 2000 : i32
    tpu.delay %delay3A_19
    %dma_start3A_20 = arith.constant 0 : i32
    %dma_start3A_21 = tpu.memref_slice %arg6[%arg1, %dma_start3A_20] : memref<16x1536xf32, #tpu.memory_space<vmem_shared>> -> memref<1x1536xf32, #tpu.memory_space<vmem_shared>>
    %dma_start3A_22 = tpu.memref_squeeze %dma_start3A_21 : memref<1x1536xf32, #tpu.memory_space<vmem_shared>> -> memref<1536xf32, #tpu.memory_space<vmem_shared>>
    tpu.enqueue_dma source(%dma_start3A_22 : memref<1536xf32, #tpu.memory_space<vmem_shared>>) target(%arg7 : memref<1536xf32, #tpu.memory_space<smem>>) target_semaphore(%arg11 : memref<!tpu.dma_semaphore, #tpu.memory_space<semaphore_mem>>)
    %dma_wait3A_23 = arith.constant 0 : i32
    %dma_wait3A_24 = tpu.memref_slice %arg6[%arg1, %dma_wait3A_23] : memref<16x1536xf32, #tpu.memory_space<vmem_shared>> -> memref<1x1536xf32, #tpu.memory_space<vmem_shared>>
    %dma_wait3A_25 = tpu.memref_squeeze %dma_wait3A_24 : memref<1x1536xf32, #tpu.memory_space<vmem_shared>> -> memref<1536xf32, #tpu.memory_space<vmem_shared>>
    tpu.wait_dma2 semaphore(%arg11 : memref<!tpu.dma_semaphore, #tpu.memory_space<semaphore_mem>>) src(%dma_wait3A_25 : memref<1536xf32, #tpu.memory_space<vmem_shared>>) dst(%arg7 : memref<1536xf32, #tpu.memory_space<smem>>)
    %delay3A_26 = arith.constant 2000 : i32
    tpu.delay %delay3A_26
    %scan3A = arith.constant 0 : i32
    %scan3A_27 = arith.constant 512 : i32
    %scan3A_28 = arith.addi %scan3A, %scan3A_27 : i32
    %scan3A_29 = arith.constant 1 : i32
    scf.for %scan3A_44 = %scan3A to %scan3A_28 step %scan3A_29  : i32 {
      %mul3A_45 = arith.constant 3 : i32
      %mul3A_46 = arith.muli %mul3A_45, %scan3A_44 : i32
      %get3A = arith.index_cast %mul3A_46 : i32 to index
      %get3A_47 = memref.load %arg7[%get3A] : memref<1536xf32, #tpu.memory_space<smem>>
      %mul3A_48 = arith.constant 3 : i32
      %mul3A_49 = arith.muli %mul3A_48, %scan3A_44 : i32
      %add3A_50 = arith.constant 1 : i32
      %add3A_51 = arith.addi %mul3A_49, %add3A_50 : i32
      %get3A_52 = arith.index_cast %add3A_51 : i32 to index
      %get3A_53 = memref.load %arg7[%get3A_52] : memref<1536xf32, #tpu.memory_space<smem>>
      %mul3A_54 = arith.constant 3 : i32
      %mul3A_55 = arith.muli %mul3A_54, %scan3A_44 : i32
      %add3A_56 = arith.constant 2 : i32
      %add3A_57 = arith.addi %mul3A_55, %add3A_56 : i32
      %get3A_58 = arith.index_cast %add3A_57 : i32 to index
      %get3A_59 = memref.load %arg7[%get3A_58] : memref<1536xf32, #tpu.memory_space<smem>>
      %mul3A_60 = arith.constant 1.280000e+02 : f32
      %mul3A_61 = arith.mulf %get3A_47, %mul3A_60 : f32
      %convert_element_type3A = arith.fptosi %mul3A_61 : f32 to i32
      %convert_element_type3A_62 = arith.sitofp %convert_element_type3A : i32 to f32
      %gt3A = arith.cmpf ogt, %convert_element_type3A_62, %mul3A_61 : f32
      %sub3A = arith.constant 1 : i32
      %sub3A_63 = arith.subi %convert_element_type3A, %sub3A : i32
      %select_n3A = arith.select %gt3A, %sub3A_63, %convert_element_type3A : i32
      %jit3A = arith.constant 0 : i32
      %jit3A_64 = arith.constant 127 : i32
      %max3A = arith.maxsi %jit3A, %select_n3A : i32
      %min3A = arith.minsi %jit3A_64, %max3A : i32
      %mul3A_65 = arith.constant 1.280000e+02 : f32
      %mul3A_66 = arith.mulf %get3A_53, %mul3A_65 : f32
      %convert_element_type3A_67 = arith.fptosi %mul3A_66 : f32 to i32
      %convert_element_type3A_68 = arith.sitofp %convert_element_type3A_67 : i32 to f32
      %gt3A_69 = arith.cmpf ogt, %convert_element_type3A_68, %mul3A_66 : f32
      %sub3A_70 = arith.constant 1 : i32
      %sub3A_71 = arith.subi %convert_element_type3A_67, %sub3A_70 : i32
      %select_n3A_72 = arith.select %gt3A_69, %sub3A_71, %convert_element_type3A_67 : i32
      %jit3A_73 = arith.constant 0 : i32
      %jit3A_74 = arith.constant 127 : i32
      %max3A_75 = arith.maxsi %jit3A_73, %select_n3A_72 : i32
      %min3A_76 = arith.minsi %jit3A_74, %max3A_75 : i32
      %mul3A_77 = arith.constant 1.280000e+02 : f32
      %mul3A_78 = arith.mulf %get3A_59, %mul3A_77 : f32
      %convert_element_type3A_79 = arith.fptosi %mul3A_78 : f32 to i32
      %convert_element_type3A_80 = arith.sitofp %convert_element_type3A_79 : i32 to f32
      %gt3A_81 = arith.cmpf ogt, %convert_element_type3A_80, %mul3A_78 : f32
      %sub3A_82 = arith.constant 1 : i32
      %sub3A_83 = arith.subi %convert_element_type3A_79, %sub3A_82 : i32
      %select_n3A_84 = arith.select %gt3A_81, %sub3A_83, %convert_element_type3A_79 : i32
      %jit3A_85 = arith.constant 0 : i32
      %jit3A_86 = arith.constant 127 : i32
      %max3A_87 = arith.maxsi %jit3A_85, %select_n3A_84 : i32
      %min3A_88 = arith.minsi %jit3A_86, %max3A_87 : i32
      %mul3A_89 = arith.constant 16384 : i32
      %mul3A_90 = arith.muli %min3A, %mul3A_89 : i32
      %mul3A_91 = arith.constant 128 : i32
      %mul3A_92 = arith.muli %min3A_76, %mul3A_91 : i32
      %add3A_93 = arith.addi %mul3A_90, %mul3A_92 : i32
      %add3A_94 = arith.addi %add3A_93, %min3A_88 : i32
      %shift_right_arithmetic3A = arith.constant 5 : i32
      %shift_right_arithmetic3A_95 = arith.shrsi %add3A_94, %shift_right_arithmetic3A : i32
      %and3A = arith.constant 31 : i32
      %and3A_96 = arith.andi %add3A_94, %and3A : i32
      %dma_start3A_97 = arith.constant 0 : i32
      %dma_start3A_98 = tpu.memref_slice %arg8[%scan3A_44, %dma_start3A_97] : memref<512x32xf32, #tpu.memory_space<vmem>> -> memref<1x32xf32, #tpu.memory_space<vmem>>
      %dma_start3A_99 = tpu.memref_squeeze %dma_start3A_98 : memref<1x32xf32, #tpu.memory_space<vmem>> -> memref<32xf32, #tpu.memory_space<vmem>>
      %dma_start3A_100 = arith.constant 0 : i32
      %dma_start3A_101 = tpu.memref_slice %arg3[%shift_right_arithmetic3A_95, %and3A_96, %dma_start3A_100] : memref<65536x32x32xf32, #tpu.memory_space<hbm>> -> memref<1x1x32xf32, #tpu.memory_space<hbm>>
      %dma_start3A_102 = tpu.memref_squeeze %dma_start3A_101 : memref<1x1x32xf32, #tpu.memory_space<hbm>> -> memref<32xf32, #tpu.memory_space<hbm>>
      %dma_start3A_103 = arith.constant 0 : i32
      %dma_start3A_104 = tpu.memref_slice %arg8[%scan3A_44, %dma_start3A_103] : memref<512x32xf32, #tpu.memory_space<vmem>> -> memref<1x32xf32, #tpu.memory_space<vmem>>
      %dma_start3A_105 = tpu.memref_squeeze %dma_start3A_104 : memref<1x32xf32, #tpu.memory_space<vmem>> -> memref<32xf32, #tpu.memory_space<vmem>>
      %dma_start3A_106 = arith.constant 0 : i32
      %dma_start3A_107 = tpu.memref_slice %arg3[%shift_right_arithmetic3A_95, %and3A_96, %dma_start3A_106] : memref<65536x32x32xf32, #tpu.memory_space<hbm>> -> memref<1x1x32xf32, #tpu.memory_space<hbm>>
      %dma_start3A_108 = tpu.memref_squeeze %dma_start3A_107 : memref<1x1x32xf32, #tpu.memory_space<hbm>> -> memref<32xf32, #tpu.memory_space<hbm>>
      tpu.enqueue_dma source(%dma_start3A_108 : memref<32xf32, #tpu.memory_space<hbm>>) target(%dma_start3A_105 : memref<32xf32, #tpu.memory_space<vmem>>) target_semaphore(%arg12 : memref<!tpu.dma_semaphore, #tpu.memory_space<semaphore_mem>>)
    }
    %scan3A_30 = arith.constant 512 : i32
    %scan3A_31 = arith.constant 0 : i32
    %scan3A_32 = arith.constant 512 : i32
    %scan3A_33 = arith.addi %scan3A_31, %scan3A_32 : i32
    %scan3A_34 = arith.constant 1 : i32
    scf.for %scan3A_44 = %scan3A_31 to %scan3A_33 step %scan3A_34  : i32 {
      %dma_wait3A_45 = arith.constant 0 : i32
      %dma_wait3A_46 = arith.constant 0 : i32
      %dma_wait3A_47 = arith.constant 0 : i32
      %dma_wait3A_48 = arith.constant 0 : i32
      %dma_wait3A_49 = tpu.memref_slice %arg8[%dma_wait3A_47, %dma_wait3A_48] : memref<512x32xf32, #tpu.memory_space<vmem>> -> memref<1x32xf32, #tpu.memory_space<vmem>>
      %dma_wait3A_50 = tpu.memref_squeeze %dma_wait3A_49 : memref<1x32xf32, #tpu.memory_space<vmem>> -> memref<32xf32, #tpu.memory_space<vmem>>
      %dma_wait3A_51 = arith.constant 0 : i32
      %dma_wait3A_52 = tpu.memref_slice %arg3[%dma_wait3A_45, %dma_wait3A_46, %dma_wait3A_51] : memref<65536x32x32xf32, #tpu.memory_space<hbm>> -> memref<1x1x32xf32, #tpu.memory_space<hbm>>
      %dma_wait3A_53 = tpu.memref_squeeze %dma_wait3A_52 : memref<1x1x32xf32, #tpu.memory_space<hbm>> -> memref<32xf32, #tpu.memory_space<hbm>>
      %dma_wait3A_54 = arith.constant 0 : i32
      %dma_wait3A_55 = tpu.memref_slice %arg8[%dma_wait3A_47, %dma_wait3A_54] : memref<512x32xf32, #tpu.memory_space<vmem>> -> memref<1x32xf32, #tpu.memory_space<vmem>>
      %dma_wait3A_56 = tpu.memref_squeeze %dma_wait3A_55 : memref<1x32xf32, #tpu.memory_space<vmem>> -> memref<32xf32, #tpu.memory_space<vmem>>
      %dma_wait3A_57 = arith.constant 0 : i32
      %dma_wait3A_58 = tpu.memref_slice %arg3[%dma_wait3A_45, %dma_wait3A_46, %dma_wait3A_57] : memref<65536x32x32xf32, #tpu.memory_space<hbm>> -> memref<1x1x32xf32, #tpu.memory_space<hbm>>
      %dma_wait3A_59 = tpu.memref_squeeze %dma_wait3A_58 : memref<1x1x32xf32, #tpu.memory_space<hbm>> -> memref<32xf32, #tpu.memory_space<hbm>>
      tpu.wait_dma2 semaphore(%arg12 : memref<!tpu.dma_semaphore, #tpu.memory_space<semaphore_mem>>) src(%dma_wait3A_59 : memref<32xf32, #tpu.memory_space<hbm>>) dst(%dma_wait3A_56 : memref<32xf32, #tpu.memory_space<vmem>>)
    }
    %scan3A_35 = arith.constant 512 : i32
    %dma_start3A_36 = arith.constant 0 : i32
    %dma_start3A_37 = tpu.memref_slice %arg4[%mul3A_2, %dma_start3A_36] : memref<16384x32xf32, #tpu.memory_space<hbm>> -> memref<512x32xf32, #tpu.memory_space<hbm>>
    %dma_start3A_38 = arith.constant 0 : i32
    %dma_start3A_39 = tpu.memref_slice %arg4[%mul3A_2, %dma_start3A_38] : memref<16384x32xf32, #tpu.memory_space<hbm>> -> memref<512x32xf32, #tpu.memory_space<hbm>>
    tpu.enqueue_dma source(%arg8 : memref<512x32xf32, #tpu.memory_space<vmem>>) target(%dma_start3A_39 : memref<512x32xf32, #tpu.memory_space<hbm>>) target_semaphore(%arg13 : memref<!tpu.dma_semaphore, #tpu.memory_space<semaphore_mem>>)
    %dma_wait3A_40 = arith.constant 0 : i32
    %dma_wait3A_41 = tpu.memref_slice %arg4[%mul3A_2, %dma_wait3A_40] : memref<16384x32xf32, #tpu.memory_space<hbm>> -> memref<512x32xf32, #tpu.memory_space<hbm>>
    %dma_wait3A_42 = arith.constant 0 : i32
    %dma_wait3A_43 = tpu.memref_slice %arg4[%mul3A_2, %dma_wait3A_42] : memref<16384x32xf32, #tpu.memory_space<hbm>> -> memref<512x32xf32, #tpu.memory_space<hbm>>
    tpu.wait_dma2 semaphore(%arg13 : memref<!tpu.dma_semaphore, #tpu.memory_space<semaphore_mem>>) src(%arg8 : memref<512x32xf32, #tpu.memory_space<vmem>>) dst(%dma_wait3A_43 : memref<512x32xf32, #tpu.memory_space<hbm>>)
    return
  }
}

module attributes {stable_mosaic.version = 14 : i64} {
  func.func @_mlp_body(%arg0: i32, %arg1: memref<2048x32xf32, #tpu.memory_space<vmem>>, %arg2: memref<32x64xf32, #tpu.memory_space<vmem>>, %arg3: memref<1x64xf32, #tpu.memory_space<vmem>>, %arg4: memref<64x4xf32, #tpu.memory_space<vmem>>, %arg5: memref<1x4xf32, #tpu.memory_space<vmem>>, %arg6: memref<2048x3xf32, #tpu.memory_space<vmem>>, %arg7: memref<2048x1xf32, #tpu.memory_space<vmem>>) attributes {dimension_semantics = [#tpu.dimension_semantics<arbitrary>], iteration_bounds = array<i64: 8>, scalar_prefetch = 0 : i64, scratch_operands = 0 : i64, tpu.core_type = #tpu.core_type<tc>, window_params = [{transform_indices = @transform_0, window_bounds = array<i64: 2048, 32>}, {pipeline_mode = #tpu.pipeline_mode<synchronous>, transform_indices = @transform_1, window_bounds = array<i64: 32, 64>}, {pipeline_mode = #tpu.pipeline_mode<synchronous>, transform_indices = @transform_2, window_bounds = array<i64: 1, 64>}, {pipeline_mode = #tpu.pipeline_mode<synchronous>, transform_indices = @transform_3, window_bounds = array<i64: 64, 4>}, {pipeline_mode = #tpu.pipeline_mode<synchronous>, transform_indices = @transform_4, window_bounds = array<i64: 1, 4>}, {transform_indices = @transform_5, window_bounds = array<i64: 2048, 3>}, {transform_indices = @transform_6, window_bounds = array<i64: 2048, 1>}]} {
    %get3A = arith.constant 0 : index
    %get3A_0 = arith.constant 0 : index
    %get3A_1 = vector.load %arg1[%get3A, %get3A_0] : memref<2048x32xf32, #tpu.memory_space<vmem>>, vector<2048x32xf32>
    %get3A_2 = arith.constant 0 : index
    %get3A_3 = arith.constant 0 : index
    %get3A_4 = vector.load %arg2[%get3A_2, %get3A_3] : memref<32x64xf32, #tpu.memory_space<vmem>>, vector<32x64xf32>
    %dot_general3A = arith.constant dense<0.000000e+00> : vector<2048x64xf32>
    %dot_general3A_5 = tpu.matmul %get3A_1, %get3A_4, %dot_general3A {dimension_numbers = #tpu.dot_dimension_numbers<[1], [0], [0], [1], [0, 0, 1, 1], [], []>, transpose_lhs_hint = false} : vector<2048x32xf32>, vector<32x64xf32>, vector<2048x64xf32> -> vector<2048x64xf32>
    %get3A_6 = arith.constant 0 : index
    %get3A_7 = arith.constant 0 : index
    %get3A_8 = vector.load %arg3[%get3A_6, %get3A_7] : memref<1x64xf32, #tpu.memory_space<vmem>>, vector<1x64xf32>
    %add3A = vector.broadcast %get3A_8 : vector<1x64xf32> to vector<2048x64xf32>
    %add3A_9 = arith.addf %dot_general3A_5, %add3A : vector<2048x64xf32>
    %max3A = arith.constant 0.000000e+00 : f32
    %max3A_10 = vector.broadcast %max3A : f32 to vector<2048x64xf32>
    %max3A_11 = arith.maximumf %add3A_9, %max3A_10 : vector<2048x64xf32>
    %get3A_12 = arith.constant 0 : index
    %get3A_13 = arith.constant 0 : index
    %get3A_14 = vector.load %arg4[%get3A_12, %get3A_13] : memref<64x4xf32, #tpu.memory_space<vmem>>, vector<64x4xf32>
    %dot_general3A_15 = arith.constant dense<0.000000e+00> : vector<2048x4xf32>
    %dot_general3A_16 = tpu.matmul %max3A_11, %get3A_14, %dot_general3A_15 {dimension_numbers = #tpu.dot_dimension_numbers<[1], [0], [0], [1], [0, 0, 1, 1], [], []>, transpose_lhs_hint = false} : vector<2048x64xf32>, vector<64x4xf32>, vector<2048x4xf32> -> vector<2048x4xf32>
    %get3A_17 = arith.constant 0 : index
    %get3A_18 = arith.constant 0 : index
    %get3A_19 = vector.load %arg5[%get3A_17, %get3A_18] : memref<1x4xf32, #tpu.memory_space<vmem>>, vector<1x4xf32>
    %add3A_20 = vector.broadcast %get3A_19 : vector<1x4xf32> to vector<2048x4xf32>
    %add3A_21 = arith.addf %dot_general3A_16, %add3A_20 : vector<2048x4xf32>
    %slice3A = vector.extract_strided_slice %add3A_21 {offsets = [0, 0], sizes = [2048, 3], strides = [1, 1]} : vector<2048x4xf32> to vector<2048x3xf32>
    %slice3A_22 = vector.extract_strided_slice %add3A_21 {offsets = [0, 3], sizes = [2048, 1], strides = [1, 1]} : vector<2048x4xf32> to vector<2048x1xf32>
    %ge3A = arith.constant 0.000000e+00 : f32
    %ge3A_23 = vector.broadcast %ge3A : f32 to vector<2048x3xf32>
    %ge3A_24 = arith.cmpf oge, %slice3A, %ge3A_23 : vector<2048x3xf32>
    %neg3A = arith.constant 0.000000e+00 : f32
    %neg3A_25 = vector.broadcast %neg3A : f32 to vector<2048x3xf32>
    %neg3A_26 = arith.subf %neg3A_25, %slice3A : vector<2048x3xf32>
    %exp3A = math.exp %neg3A_26 : vector<2048x3xf32>
    %add3A_27 = arith.constant 1.000000e+00 : f32
    %add3A_28 = vector.broadcast %add3A_27 : f32 to vector<2048x3xf32>
    %add3A_29 = arith.addf %add3A_28, %exp3A : vector<2048x3xf32>
    %div3A = arith.constant 1.000000e+00 : f32
    %div3A_30 = vector.broadcast %div3A : f32 to vector<2048x3xf32>
    %div3A_31 = arith.divf %div3A_30, %add3A_29 : vector<2048x3xf32>
    %exp3A_32 = math.exp %slice3A : vector<2048x3xf32>
    %exp3A_33 = math.exp %slice3A : vector<2048x3xf32>
    %add3A_34 = arith.constant 1.000000e+00 : f32
    %add3A_35 = vector.broadcast %add3A_34 : f32 to vector<2048x3xf32>
    %add3A_36 = arith.addf %add3A_35, %exp3A_33 : vector<2048x3xf32>
    %div3A_37 = arith.divf %exp3A_32, %add3A_36 : vector<2048x3xf32>
    %select_n3A = arith.select %ge3A_24, %div3A_31, %div3A_37 : vector<2048x3xi1>, vector<2048x3xf32>
    %swap3A = arith.constant 0 : index
    %swap3A_38 = arith.constant 0 : index
    %swap3A_39 = vector.load %arg6[%swap3A, %swap3A_38] : memref<2048x3xf32, #tpu.memory_space<vmem>>, vector<2048x3xf32>
    tpu.vector_store %arg6[%swap3A, %swap3A_38], %select_n3A {strides = array<i32>} : memref<2048x3xf32, #tpu.memory_space<vmem>>, vector<2048x3xf32>,
    %max3A_40 = arith.constant 0.000000e+00 : f32
    %max3A_41 = vector.broadcast %max3A_40 : f32 to vector<2048x1xf32>
    %max3A_42 = arith.maximumf %slice3A_22, %max3A_41 : vector<2048x1xf32>
    %abs3A = math.absf %slice3A_22 : vector<2048x1xf32>
    %neg3A_43 = arith.constant 0.000000e+00 : f32
    %neg3A_44 = vector.broadcast %neg3A_43 : f32 to vector<2048x1xf32>
    %neg3A_45 = arith.subf %neg3A_44, %abs3A : vector<2048x1xf32>
    %exp3A_46 = math.exp %neg3A_45 : vector<2048x1xf32>
    %log1p3A = math.log1p %exp3A_46 : vector<2048x1xf32>
    %add3A_47 = arith.addf %max3A_42, %log1p3A : vector<2048x1xf32>
    %swap3A_48 = arith.constant 0 : index
    %swap3A_49 = arith.constant 0 : index
    %swap3A_50 = vector.load %arg7[%swap3A_48, %swap3A_49] : memref<2048x1xf32, #tpu.memory_space<vmem>>, vector<2048x1xf32>
    tpu.vector_store %arg7[%swap3A_48, %swap3A_49], %add3A_47 {strides = array<i32>} : memref<2048x1xf32, #tpu.memory_space<vmem>>, vector<2048x1xf32>,
    return
  }
  func.func @transform_0(%arg0: i32) -> (i32, i32) {
    %c0_i32 = arith.constant 0 : i32
    %c0_i32_0 = arith.constant 0 : i32
    return %arg0, %c0_i32 : i32, i32
  }
  func.func @transform_1(%arg0: i32) -> (i32, i32) {
    %c0_i32 = arith.constant 0 : i32
    %c0_i32_0 = arith.constant 0 : i32
    %c0_i32_1 = arith.constant 0 : i32
    return %c0_i32, %c0_i32_0 : i32, i32
  }
  func.func @transform_2(%arg0: i32) -> (i32, i32) {
    %c0_i32 = arith.constant 0 : i32
    %c0_i32_0 = arith.constant 0 : i32
    %c0_i32_1 = arith.constant 0 : i32
    return %c0_i32, %c0_i32_0 : i32, i32
  }
  func.func @transform_3(%arg0: i32) -> (i32, i32) {
    %c0_i32 = arith.constant 0 : i32
    %c0_i32_0 = arith.constant 0 : i32
    %c0_i32_1 = arith.constant 0 : i32
    return %c0_i32, %c0_i32_0 : i32, i32
  }
  func.func @transform_4(%arg0: i32) -> (i32, i32) {
    %c0_i32 = arith.constant 0 : i32
    %c0_i32_0 = arith.constant 0 : i32
    %c0_i32_1 = arith.constant 0 : i32
    return %c0_i32, %c0_i32_0 : i32, i32
  }
  func.func @transform_5(%arg0: i32) -> (i32, i32) {
    %c0_i32 = arith.constant 0 : i32
    %c0_i32_0 = arith.constant 0 : i32
    return %arg0, %c0_i32 : i32, i32
  }
  func.func @transform_6(%arg0: i32) -> (i32, i32) {
    %c0_i32 = arith.constant 0 : i32
    %c0_i32_0 = arith.constant 0 : i32
    return %arg0, %c0_i32 : i32, i32
  }
}

</mosaic_0001>

<sc_bundles>
// kernel: _impl.4.cloned.1.call-start
scs
__scs_entry_jumppad:
0x0: {  	(pc) =	sbr.rel $0x88, $3  }
0x1: {  	(tag) =	ssettag $0x0;
	lr =	simm.s32 $0x1  }
0x2: {  	[smem:$0x3F9B] =	sst lr;
	_ =	strace $0xD0000000  }
0x3: {  	_ = 	snop  }
0x4: {  	_ = 	snop  }
0x5: {  	_ = 	snop  }
0x6: {  	_ = 	snop  }
0x7: {  	_ = 	snop  }
__scs_overlays_trampoline_lowered:
0x8: {  	[smem:$0x3FAA] =	sst s0  }
0x9: {  	[smem:$0x3FAB] =	sst s1  }
0xa: {  	[smem:$0x3FAC] =	sst s2  }
0xb: {  	[smem:$0x3FAD] =	sst s3  }
0xc: {  	[smem:$0x3FAE] =	sst s4  }
0xd: {  	[smem:$0x3FAF] =	sst s5  }
0xe: {  	[smem:$0x3FB0] =	sst s6  }
0xf: {  	[smem:$0x3FB1] =	sst s7  }
0x10: {  	[smem:$0x3FB2] =	sst s8  }
0x11: {  	[smem:$0x3FB3] =	sst s9;
	s0 =	simm.s32 @!p0 $0x0  }
0x12: {  	s1 =	sld [smem:$0x3F99];
	s0 =	simm.s32 @p0 $0x1  }
0x13: {  	[smem:$0x3FB4] =	sst s0;
	s0 =	simm.s32 @!p1 $0x0  }
0x14: {  	s2 =	sld [smem:$0x3F98];
	s0 =	simm.s32 @p1 $0x1  }
0x15: {  	[smem:$0x3FB5] =	sst s0;
	s0 =	simm.s32 @!p2 $0x0  }
0x16: {  	s3 =	sld [smem:$0x3FDB];
	s0 =	simm.s32 @p2 $0x1  }
0x17: {  	s4 =	simm.s32 $0x1BF5;
	[smem:$0x3FB7] =	sst s0  }
0x18: {  	s0 =	sld [smem:$0x3F9A];
	_ =	swait.ge [sflag:s4], $0x0  }
0x19: {  	s7 =	sld [smem:$0x3F9B]  }
0x1a: {  	s8 =	sadd.s32 $0xFFFFE003, lr  }
0x1b: {  	s9 =	sadd.s32 $0xFFFFFEF7, lr;
	s5 =	simm.s32 $0xFFFFFFFF;
	p2 =	slt.u32 s8, $0xFFFFF086  }
0x1c: {  	p1 =	slt.u32 s9, $0xF7A;
	s5 =	simm.s32 @!p2 $0x0  }
0x1d: {  	s5 =	simm.s32 @p1 $0x1;
	p0 =	seq.s32 s7, s2  }
0x1e: {  	s7 =	smul.u32 @!p0 $0xF7A, s2;
	p2 =	seq.s32 @!p0 s5, $0x0  }
0x1f: {  	s9 =	smul.u32 $0xF7A, s1;
	s8 =	simm.s32 @!p0 $0x1BF5;
	p2 =	por !p2, p0  }
0x20: {  	[sflag:s8] =	ssyncset.s32 @!p0 $0xFFFFF086;
	s6 =	sadd.s32 @!p0 s3, s7;
	s7 =	simm.s32 @!p0 $0x108  }
0x21: {  	s3 =	sadd.s32 s3, s9;
	s6 =	sadd.s32 @!p0 $0x88, s6;
	s7 =	simm.s32 @p2 $0x1082  }
0x22: {  	[simem:s7], [sflag:s8] =	dma.local @!p0 [hbm:s6], $0xF7A  }
0x23: {  	s9 =	sor.u32 $0xD0000000, s2;
	s6 =	simm.s32 $0x108;
	_ =	swait.ge @!p0 [sflag:s8], $0x0  }
0x24: {  	s3 =	sadd.s32 $0x88, s3;
	s6 =	simm.s32 @!p1 $0x1082;
	[sflag:s4] =	ssyncset.s32 $0xFFFFF086  }
0x25: {  	[simem:s6], [sflag:s4] =	dma.local [hbm:s3], $0xF7A  }
0x26: {  	[smem:$0x3F9B] =	sst s1;
	(tag) =	ssettag s2;
	_ =	strace s9  }
0x27: {  	s1 =	sld [smem:$0x3FAB]  }
0x28: {  	s2 =	sld [smem:$0x3FAC]  }
0x29: {  	s4 =	sld [smem:$0x3FAE]  }
0x2a: {  	p0 =	seq.s32 s5, $0x0;
	s5 =	sld [smem:$0x3FAF]  }
0x2b: {  	s6 =	sld [smem:$0x3FB0]  }
0x2c: {  	s7 =	sld [smem:$0x3FB1]  }
0x2d: {  	s3 =	simm.s32 $0x108;
	s8 =	sld [smem:$0x3FB2]  }
0x2e: {  	s3 =	simm.s32 @!p0 $0x1082;
	s9 =	sld [smem:$0x3FB3]  }
0x2f: {  	lr =	sadd.s32 s0, s3;
	s0 =	sld [smem:$0x3FAA]  }
0x30: {  	s3 =	sld [smem:$0x3FAD]  }
0x31: {  	[smem:$0x3FB6] =	sst s10  }
0x32: {  	s10 =	sld [smem:$0x3FB4];
	_ =	sdelay $0x3  }
0x33: {  	p0 =	seq.s32 s10, $0x1;
	s10 =	sld [smem:$0x3FB6];
	_ =	sdelay $0x3  }
0x34: {  	[smem:$0x3FB6] =	sst s10  }
0x35: {  	s10 =	sld [smem:$0x3FB5];
	_ =	sdelay $0x3  }
0x36: {  	p1 =	seq.s32 s10, $0x1;
	s10 =	sld [smem:$0x3FB6];
	_ =	sdelay $0x3  }
0x37: {  	[smem:$0x3FB6] =	sst s10  }
0x38: {  	s10 =	sld [smem:$0x3FB7]  }
0x39: {  	_ = 	snop;
	(pc) =	sbr.ind lr, $3  }
0x3a: {  	_ = 	snop  }
0x3b: {  	_ = 	snop  }
0x3c: {  	p2 =	seq.s32 s10, $0x1;
	s10 =	sld [smem:$0x3FB6]  }
0x3d: {  	_ =	shalt  }
0x3e: {  	_ =	shalt  }
0x3f: {  	_ =	shalt  }
0x40: {  	_ =	shalt  }
0x41: {  	_ =	shalt  }
0x42: {  	_ =	shalt  }
0x43: {  	_ =	shalt  }
0x44: {  	_ =	shalt  }
0x45: {  	_ =	shalt  }
0x46: {  	_ =	shalt  }
0x47: {  	_ =	shalt  }
0x48: {  	_ =	shalt  }
0x49: {  	_ =	shalt  }
0x4a: {  	_ =	shalt  }
0x4b: {  	_ =	shalt  }
0x4c: {  	_ =	shalt  }
0x4d: {  	_ =	shalt  }
0x4e: {  	_ =	shalt  }
0x4f: {  	_ =	shalt  }
0x50: {  	_ =	shalt  }
0x51: {  	_ =	shalt  }
0x52: {  	_ =	shalt  }
0x53: {  	_ =	shalt  }
0x54: {  	_ =	shalt  }
0x55: {  	_ =	shalt  }
0x56: {  	_ =	shalt  }
0x57: {  	_ =	shalt  }
0x58: {  	_ =	shalt  }
0x59: {  	_ =	shalt  }
0x5a: {  	_ =	shalt  }
0x5b: {  	_ =	shalt  }
0x5c: {  	_ =	shalt  }
0x5d: {  	_ =	shalt  }
0x5e: {  	_ =	shalt  }
0x5f: {  	_ =	shalt  }
0x60: {  	_ =	shalt  }
0x61: {  	_ =	shalt  }
0x62: {  	_ =	shalt  }
0x63: {  	_ =	shalt  }
0x64: {  	_ =	shalt  }
0x65: {  	_ =	shalt  }
0x66: {  	_ =	shalt  }
0x67: {  	_ =	shalt  }
0x68: {  	_ =	shalt  }
0x69: {  	_ =	shalt  }
0x6a: {  	_ =	shalt  }
0x6b: {  	_ =	shalt  }
0x6c: {  	_ =	shalt  }
0x6d: {  	_ =	shalt  }
0x6e: {  	_ =	shalt  }
0x6f: {  	_ =	shalt  }
0x70: {  	_ =	shalt  }
0x71: {  	_ =	shalt  }
0x72: {  	_ =	shalt  }
0x73: {  	_ =	shalt  }
0x74: {  	_ =	shalt  }
0x75: {  	_ =	shalt  }
0x76: {  	_ =	shalt  }
0x77: {  	_ =	shalt  }
0x78: {  	_ =	shalt  }
0x79: {  	_ =	shalt  }
0x7a: {  	_ =	shalt  }
0x7b: {  	_ =	shalt  }
0x7c: {  	_ =	shalt  }
0x7d: {  	_ =	shalt  }
0x7e: {  	_ =	shalt  }
0x7f: {  	_ =	shalt  }
0x80: {  	_ =	shalt  }
0x81: {  	_ =	shalt  }
0x82: {  	_ =	shalt  }
0x83: {  	_ =	shalt  }
0x84: {  	_ =	shalt  }
0x85: {  	_ =	shalt  }
0x86: {  	_ =	shalt  }
0x87: {  	_ =	shalt  }
.Lfunc_end0:
.L_simem_size_0:
called_computation_lowered:
.L_overlay_start_0:
0x88: {  	s2 =	sld [smem:$0x3FD9]  }
0x89: {  	s3 =	sld [smem:$0x3FFE];
	_ =	sdelay $0x1  }
0x8a: {  	s1 =	srdreg.scid  }
0x8b: {  	s0 =	sand.u32 $0x1, s1  }
0x8c: {  	s14 =	sshll.u32 s0, $0xA;
	s2 =	sadd.s32 s3, s2  }
0x8d: {  	s2 =	sadd.s32 s2, s14  }
0x8e: {  	[smem:$0x3FC2] =	sst s2  }
0x8f: {  	_ = 	snop  }
0x90: {  	s2 =	sld [smem:$0x3FD0];
	_ =	sdelay $0x2  }
0x91: {  	s15 =	simm.s32 $0xA;
	s4 =	simm.s32 $0x10  }
0x92: {  	[smem:s4], [sflag:s15] =	dma.local [hbm:s2], $0x1  }
0x93: {  	_ =	swait.eq [sflag:s15], $0x1  }
0x94: {  	[sflag:s15] =	ssyncset.done $0x0  }
0x95: {  	[sflag:s15] =	ssyncadd.s32 $0xFFFFFFFF  }
0x96: {  	s16 =	sld [smem:$0x10];
	(tm) =	ssettm $0x1  }
0x97: {  	s17 =	sld [smem:$0x3FFB];
	_ =	sdelay $0x3  }
0x98: {  	_ =	strace s17  }
0x99: {  	s3 =	sld [smem:$0x3FFC];
	_ =	sdelay $0x3  }
0x9a: {  	_ =	strace s3  }
0x9b: {  	s3 =	sld [smem:$0x3FFD];
	_ =	sdelay $0x3  }
0x9c: {  	_ =	strace s3  }
0x9d: {  	_ =	strace $0x8FFFFFFF  }
0x9e: {  	s18 =	sld [smem:$0x3FDB];
	_ =	sdelay $0x1  }
0x9f: {  	s19 =	simm.s32 $_scs_section_size  }
0xa0: {  	s5 =	simm.s32 $_size__tile_overlayer_lowered;
	s6 =	simm.s32 $_tile_overlayer_lowered  }
0xa1: {  	s22 =	simm.s32 $0x1BFF;
	s21 =	sshll.u32 s6, $0x1;
	s3 =	sadd.s32 s19, s18  }
0xa2: {  	s7 =	simm.s32 $0x0;
	s20 =	sshll.u32 s5, $0x1;
	s5 =	sadd.s32 s21, s3  }
0xa3: {  	[timem:s7], [sflag:s22] =	dma.local [hbm:s5], s20  }
0xa4: {  	_ =	swait.ge [sflag:s22], s20  }
0xa5: {  	s4 =	ssub.s32 $0x0, s20;
	[sflag:s22] =	ssyncset.done $0x0  }
0xa6: {  	[sflag:s22] =	ssyncadd.s32 s4;
	_ =	sdelay $0x1  }
0xa7: {  	s23 =	simm.s32 $0x1B8B  }
0xa8: {  	_ =	swait.ge [sflag:s23], $0x1  }
0xa9: {  	[sflag:s23] =	ssyncset.done $0x0  }
0xaa: {  	s25 =	simm.s32 $0x1B8E;
	s24 =	sld [smem:$0x3FFE];
	[sflag:s23] =	ssyncadd.s32 $0xFFFFFFFF  }
0xab: {  	s26 =	simm.s32 $execute0_lowered;
	[smem:$0x3FD2] =	sst s25  }
0xac: {  	s5 =	sshll.u32 s26, $0x1;
	_ =	strace $0x80000046;
	[dreg:$0x1] =	wrdreg $0xFFFFFFFF  }
0xad: {  	s28 =	simm.s32 $_size_execute0_lowered;
	s3 =	sadd.s32 s3, s5;
	[dreg:$0x0] =	wrdreg $0x0  }
0xae: {  	s5 =	sshll.u32 s28, $0x1;
	[dreg:$0x2] =	wrdreg s3  }
0xaf: {  	[dreg:$0x3] =	wrdreg s5  }
0xb0: {  	[dreg:$0x4] =	wrdreg $0xC0  }
0xb1: {  	_ =	task [dreg:s7], $0x5FFFF  }
0xb2: {  	[dreg:$0x1] =	wrdreg $0xFFFFFFFF  }
0xb3: {  	[dreg:$0x0] =	wrdreg $0x60  }
0xb4: {  	[dreg:$0x2] =	wrdreg s16  }
0xb5: {  	[dreg:$0x3] =	wrdreg s24  }
0xb6: {  	[dreg:$0x4] =	wrdreg $0x6000  }
0xb7: {  	[dreg:$0x5] =	wrdreg $0x9  }
0xb8: {  	_ =	task.clear_ibuf [dreg:s7], $0x6FFFF;
	_ =	strace $0x90000046  }
0xb9: {  	s29 =	simm.s32 $0x9;
	_ =	strace $0x80000048  }
0xba: {  	_ =	swait.ge [sflag:s29], $0x1  }
0xbb: {  	[sflag:s29] =	ssyncadd.s32 $0xFFFFFFFF  }
0xbc: {  	_ =	strace $0x90000048  }
0xbd: {  	_ =	sfence  }
0xbe: {  	s30 =	sld [smem:$0x0];
	_ =	sdelay $0x2  }
0xbf: {  	s31 =	sshll.u32 s1, $0xD;
	s1 =	sshrl.u32 s1, $0x2  }
0xc0: {  	s3 =	sand.u32 $0x4000, s31;
	s1 =	sadd.s32 s1, s30  }
0xc1: {  	s0 =	sor.u32 s3, s0;
	s1 =	sshll.u32 s1, $0x11  }
0xc2: {  	s0 =	sor.u32 s1, s0  }
0xc3: {  	s0 =	sadd.s32 $0x8F2B, s0  }
0xc4: {  	[sflag:s0] =	ssyncadd.remote.s32 $0x1  }
0xc5: {  	_ =	sfence.sel $0xFFFF  }
0xc6: {  	[dreg:$0x0] =	wrdreg $0xFFFFFFFF;
	(pc) =	sbr.abs _section_cstart, $3  }
0xc7: {  	[dreg:$0x1] =	wrdreg $0xFFFFFFFF  }
0xc8: {  	_ =	task.clear_ibuf [dreg:s7], $0x2FFFF;
	_ =	strace $0x9FFFFFFF  }
0xc9: {  	(tm) =	ssettm $0x7FFFFFFF  }
tec
execute0_lowered:
.L_overlay_start_1:
0x0: {  	(tag) =	ssettag $0x1  }
0x1: {  	s0 =	rddreg [dreg:$0x0]  }
0x2: {  	s1 =	rddreg [dreg:$0x1]  }
0x3: {  	s3 =	rddreg [dreg:$0x2]  }
0x4: {  	s2 =	simm.s32 $0x0;
	s4 =	srdreg.scid;
	s9 =	stileid.u32  }
0x5: {  	s18 =	simm.s32 $0x1;
	s19 =	simm.s32 $0x80;
	s20 =	simm.s32 $0x400  }
0x6: {  	s31 =	simm.s32 $0x3;
	[smem:$0x7FF] =	sst s2;
	s4 =	sand.u32 $0x1, s4  }
0x7: {  	s5 =	sshll.u32 s9, $0x1;
	s6 =	sshrl.u32 s9, $0x3;
	s7 =	sadd.s32 $0x1000, s1  }
0x8: {  	s21 =	sshll.u32 s9, $0x7;
	_ =	strace $0x80000047;
	s5 =	sor.u32 s4, s5  }
0x9: {  	s6 =	smul.u32 $0xC000, s6;
	[dreg:$0x4] =	wrdreg s7;
	s4 =	ssub.s32 $0x2, s4  }
0xa: {  	s7 =	sand.u32 $0x380, s21;
	s8 =	sshll.u32 s5, $0xD;
	s5 =	smul.u32 $0xC0, s5  }
0xb: {  	s21 =	simm.s32 $0x5;
	s22 =	sshrl.u32 s4, $0x1;
	s1 =	sadd.s32 s8, s1  }
0xc: {  	s6 =	sshrl.u32 s6, $0x2;
	s23 =	ssub.s32 s4, s22;
	s0 =	sadd.s32 s0, s5  }
0xd: {  	s22 =	simm.s32 $0x0;
	s24 =	sadd.s32 $0x2001000, s1;
	[dreg:$0x5] =	wrdreg s0  }
0xe: {  	s3 =	sadd.s32 s6, s3;
	s25 =	smax.u32 s23, $0x1;
	[dreg:$0x6] =	wrdreg s24  }
0xf: {  	s4 =	sadd.s32 s7, s3;
	[dreg:$0x7] =	wrdreg s25;
	s0 =	simm.s32 $0x4  }
0x10: {  	s26 =	sadd.s32 $0x400, s4;
	s28 =	sadd.s32 $0x800, s4;
	s29 =	sadd.s32 $0xC00, s4  }
0x11: {  	s30 =	sadd.s32 $0x1000, s4;
	s11 =	sadd.s32 $0x1400, s4;
	[dreg:$0x8] =	wrdreg s26  }
0x12: {  	s12 =	sadd.s32 $0x1800, s4;
	s13 =	sadd.s32 $0x1C00, s4;
	[dreg:$0x9] =	wrdreg s28  }
0x13: {  	s14 =	sadd.s32 $0x2000, s4;
	s15 =	sadd.s32 $0x2400, s4;
	[dreg:$0xa] =	wrdreg s29  }
0x14: {  	s16 =	sadd.s32 $0x2800, s4;
	s17 =	sadd.s32 $0x2C00, s4;
	[dreg:$0xb] =	wrdreg s30  }
.LBB2_1:
0x15: {  	s1 =	rddreg [dreg:$0x5]  }
0x16: {  	[tilespmem:s2], [sflag:$0x1] =	stream.linear.gather [hbm4b:s1+s2], $0x600, $0x38;
	[tilespmem:$0x10C00] =	vst v63  }
0x17: {  	_ =	swait.ge [sflag:s18], $0x600  }
0x18: {  	[sflag:s18] =	ssyncset.done $0x0  }
0x19: {  	[sflag:s18] =	ssyncadd.s32 $0xFFFFFA00  }
0x1a: {  	_ =	sdelay $0x7ff  }
0x1b: {  	_ =	sdelay $0x7ff  }
0x1c: {  	s7 =	simm.s32 $0x2;
	_ =	sdelay $0x5ad  }
0x1d: {  	[spmem:s4] =	stream.strided.scatter [tilespmem:s2], [sflag:$0x2], $0x600, s20, s19, $0x38;
	[tilespmem:$0x10C00] =	vst v63  }
0x1e: {  	_ =	swait.ge [sflag:s7], $0x600  }
0x1f: {  	[sflag:s7] =	ssyncset.done $0x0  }
0x20: {  	[sflag:s7] =	ssyncadd.s32 $0xFFFFFA00  }
0x21: {  	_ =	sdelay $0x7ff  }
0x22: {  	_ =	sdelay $0x7ff  }
0x23: {  	_ =	sdelay $0x5ad  }
0x24: {  	[smem:s2], [sflag:$0x3] =	stream.linear.gather [spmem:s4], $0x80, $0x38;
	[tilespmem:$0x10C00] =	vst v63  }
0x25: {  	s8 =	rddreg [dreg:$0x8]  }
0x26: {  	[smem:s19], [sflag:$0x3] =	stream.linear.gather [spmem:s8], $0x80, $0x38;
	[tilespmem:$0x10C00] =	vst v63  }
0x27: {  	s3 =	simm.s32 $0x100;
	s1 =	rddreg [dreg:$0x9]  }
0x28: {  	[smem:s3], [sflag:$0x3] =	stream.linear.gather [spmem:s1], $0x80, $0x38;
	[tilespmem:$0x10C00] =	vst v63  }
0x29: {  	s9 =	simm.s32 $0x180;
	s1 =	rddreg [dreg:$0xa]  }
0x2a: {  	[smem:s9], [sflag:$0x3] =	stream.linear.gather [spmem:s1], $0x80, $0x38;
	[tilespmem:$0x10C00] =	vst v63  }
0x2b: {  	s10 =	simm.s32 $0x200;
	s1 =	rddreg [dreg:$0xb]  }
0x2c: {  	[smem:s10], [sflag:$0x3] =	stream.linear.gather [spmem:s1], $0x80, $0x38;
	[tilespmem:$0x10C00] =	vst v63  }
0x2d: {  	s23 =	simm.s32 $0x280  }
0x2e: {  	[smem:s23], [sflag:$0x3] =	stream.linear.gather [spmem:s11], $0x80, $0x38;
	[tilespmem:$0x10C00] =	vst v63  }
0x2f: {  	s24 =	simm.s32 $0x300  }
0x30: {  	[smem:s24], [sflag:$0x3] =	stream.linear.gather [spmem:s12], $0x80, $0x38;
	[tilespmem:$0x10C00] =	vst v63  }
0x31: {  	s25 =	simm.s32 $0x380  }
0x32: {  	[smem:s25], [sflag:$0x3] =	stream.linear.gather [spmem:s13], $0x80, $0x38;
	[tilespmem:$0x10C00] =	vst v63  }
0x33: {  	_ = 	snop  }
0x34: {  	[smem:s20], [sflag:$0x3] =	stream.linear.gather [spmem:s14], $0x80, $0x38;
	[tilespmem:$0x10C00] =	vst v63  }
0x35: {  	s26 =	simm.s32 $0x480  }
0x36: {  	[smem:s26], [sflag:$0x3] =	stream.linear.gather [spmem:s15], $0x80, $0x38;
	[tilespmem:$0x10C00] =	vst v63  }
0x37: {  	s3 =	simm.s32 $0x500  }
0x38: {  	[smem:s3], [sflag:$0x3] =	stream.linear.gather [spmem:s16], $0x80, $0x38;
	[tilespmem:$0x10C00] =	vst v63  }
0x39: {  	s5 =	simm.s32 $0x580  }
0x3a: {  	[smem:s5], [sflag:$0x3] =	stream.linear.gather [spmem:s17], $0x80, $0x38;
	[tilespmem:$0x10C00] =	vst v63  }
0x3b: {  	_ =	swait.ge [sflag:s31], $0x600  }
0x3c: {  	[sflag:s31] =	ssyncset.done $0x0  }
0x3d: {  	[sflag:s31] =	ssyncadd.s32 $0xFFFFFA00  }
0x3e: {  	_ =	sdelay $0x7ff  }
0x3f: {  	_ =	sdelay $0x7ff  }
0x40: {  	_ =	sdelay $0x5ad  }
0x41: {  	s6 =	sld [smem:$0x2]  }
0x42: {  	s7 =	sld [smem:$0x0]  }
0x43: {  	s5 =	sld [smem:$0x1]  }
0x44: {  	s1 =	smul.f32 $1.280000000e+02, s6  }
0x45: {  	s3 =	smul.f32 $1.280000000e+02, s7  }
0x46: {  	s5 =	smul.f32 $1.280000000e+02, s5  }
0x47: {  	s6 =	scvt.f32.s32 s1;
	s26 =	scvt.f32.s32 s3  }
0x48: {  	s25 =	rddreg [dreg:$0x4];
	s29 =	scvt.f32.s32 s5  }
0x49: {  	s30 =	scvt.s32.f32 s6;
	s24 =	scvt.s32.f32 s26  }
0x4a: {  	s8 =	sld [smem:$0x5];
	s28 =	scvt.s32.f32 s29  }
0x4b: {  	s23 =	simm.s32 $0x200;
	p2 =	slt.f32 s1, s30;
	p0 =	slt.f32 s3, s24  }
0x4c: {  	s1 =	simm.s32 $0x1;
	s24 =	simm.s32 $0x5;
	p1 =	slt.f32 s5, s28  }
0x4d: {  	s28 =	sld [smem:$0x3];
	s5 =	simm.s32 $0x1;
	s1 =	simm.s32 @!p0 $0x0  }
0x4e: {  	s5 =	simm.s32 @!p1 $0x0;
	s26 =	ssub.s32 s26, s1;
	s1 =	simm.s32 $0x1  }
0x4f: {  	s30 =	sld [smem:$0x4];
	s5 =	ssub.s32 s29, s5;
	s1 =	simm.s32 @!p2 $0x0  }
0x50: {  	p0 =	sgt.s32 s26, $0x0;
	s29 =	smul.f32 $1.280000000e+02, s8;
	p1 =	sgt.s32 s5, $0x0  }
0x51: {  	s6 =	ssub.s32 s6, s1;
	s26 =	simm.s32 @!p0 $0x0;
	s5 =	simm.s32 @!p1 $0x0  }
0x52: {  	s26 =	smin.u32 s26, $0x7F;
	p0 =	sgt.s32 s6, $0x0;
	s5 =	smin.u32 s5, $0x7F  }
0x53: {  	s26 =	sshll.u32 s26, $0xE;
	s6 =	simm.s32 @!p0 $0x0;
	s5 =	sshll.u32 s5, $0x7  }
0x54: {  	s1 =	simm.s32 $0x0;
	s10 =	smin.u32 s6, $0x7F;
	s9 =	sor.u32 s26, s5  }
0x55: {  	s26 =	simm.s32 $0x400;
	s5 =	sshll.u32 s10, $0x4;
	s3 =	sor.u32 s10, s9  }
.LBB2_2:
0x56: {  	s3 =	sshll.u32 s3, $0x4;
	s5 =	sand.u32 $0x1F0, s5  }
0x57: {  	s3 =	sand.u32 $0x1FFFE00, s3;
	s5 =	sadd.s32 s25, s5;
	s6 =	smul.f32 $1.280000000e+02, s28  }
0x58: {  	s1 =	sadd.s32 $0xC00, s1;
	s28 =	smul.f32 $1.280000000e+02, s30;
	s3 =	sadd.s32 s3, s5  }
0x59: {  	[tilespmem:s1], [sflag:$0x4] =	stream.linear.gather [hbm4b:s3+s2], $0x80, $0x38;
	[tilespmem:$0x10C00] =	vst v63  }
0x5a: {  	s7 =	scvt.f32.s32 s29;
	s3 =	scvt.f32.s32 s6  }
0x5b: {  	s24 =	sadd.s32 $0x3, s24;
	s25 =	rddreg [dreg:$0x4];
	s5 =	scvt.f32.s32 s28  }
0x5c: {  	p0 =	sne.s32 s26, $0x3FE00;
	s9 =	sld [smem:s24+$0x0];
	s30 =	scvt.s32.f32 s3  }
0x5d: {  	s1 =	smov.u32 s23;
	s23 =	smov.u32 s26;
	s8 =	scvt.s32.f32 s5  }
0x5e: {  	s10 =	scvt.s32.f32 s7;
	s26 =	sadd.s32 $0x200, s26;
	p2 =	slt.f32 s6, s30  }
0x5f: {  	s1 =	sshra.s32 s1, $0x2;
	p3 =	slt.f32 s28, s8;
	s6 =	simm.s32 $0x1  }
0x60: {  	p1 =	slt.f32 s29, s10;
	s8 =	simm.s32 $0x1;
	s6 =	simm.s32 @!p2 $0x0  }
0x61: {  	s29 =	smul.f32 $1.280000000e+02, s9;
	s8 =	simm.s32 @!p3 $0x0;
	s3 =	ssub.s32 s3, s6  }
0x62: {  	s5 =	ssub.s32 s5, s8;
	s6 =	simm.s32 $0x1;
	p2 =	sgt.s32 s3, $0x0  }
0x63: {  	p3 =	sgt.s32 s5, $0x0;
	s6 =	simm.s32 @!p1 $0x0;
	s3 =	simm.s32 @!p2 $0x0  }
.Ltmp0:
0x64: {  	s5 =	simm.s32 @!p3 $0x0;
	s6 =	ssub.s32 s7, s6;
	(pc) =	sbr.rel @p0 .LBB2_2-.Ltmp0, $4  }
0x65: {  	s3 =	smin.u32 s3, $0x7F;
	s5 =	smin.u32 s5, $0x7F;
	p1 =	sgt.s32 s6, $0x0  }
0x66: {  	s3 =	sshll.u32 s3, $0xE;
	s5 =	sshll.u32 s5, $0x7;
	s6 =	simm.s32 @!p1 $0x0  }
0x67: {  	s28 =	sld [smem:s24+$0xFFFFFFFE];
	s3 =	sor.u32 s3, s5;
	s10 =	smin.u32 s6, $0x7F  }
0x68: {  	s30 =	sld [smem:s24+$0xFFFFFFFF];
	s3 =	sor.u32 s10, s3;
	s5 =	sshll.u32 s10, $0x4  }
0x69: {  	_ = 	snop  }
0x6a: {  	s6 =	smul.f32 $1.280000000e+02, s28  }
0x6b: {  	s7 =	smul.f32 $1.280000000e+02, s30  }
0x6c: {  	s3 =	sshll.u32 s3, $0x4;
	s5 =	sand.u32 $0x1F0, s5;
	s26 =	scvt.f32.s32 s29  }
0x6d: {  	s5 =	sadd.s32 s25, s5;
	s24 =	scvt.f32.s32 s6;
	s25 =	scvt.f32.s32 s7  }
0x6e: {  	s1 =	sadd.s32 $0xC00, s1;
	s3 =	sand.u32 $0x1FFFE00, s3;
	s10 =	scvt.s32.f32 s26  }
0x6f: {  	s3 =	sadd.s32 s3, s5;
	s8 =	scvt.s32.f32 s24;
	s9 =	scvt.s32.f32 s25  }
0x70: {  	[tilespmem:s1], [sflag:$0x4] =	stream.linear.gather [hbm4b:s3+s2], $0x80, $0x38;
	[tilespmem:$0x10C00] =	vst v63  }
0x71: {  	p0 =	slt.f32 s6, s8;
	p1 =	slt.f32 s7, s9  }
0x72: {  	s6 =	simm.s32 $0x1;
	s7 =	simm.s32 $0x1  }
0x73: {  	p2 =	slt.f32 s29, s10;
	s6 =	simm.s32 @!p0 $0x0;
	s7 =	simm.s32 @!p1 $0x0  }
0x74: {  	s1 =	ssub.s32 s24, s6;
	s6 =	simm.s32 $0x1;
	s3 =	ssub.s32 s25, s7  }
0x75: {  	p0 =	sgt.s32 s1, $0x0;
	s6 =	simm.s32 @!p2 $0x0;
	p1 =	sgt.s32 s3, $0x0  }
0x76: {  	s1 =	simm.s32 @!p0 $0x0;
	s5 =	ssub.s32 s26, s6;
	s3 =	simm.s32 @!p1 $0x0  }
0x77: {  	s1 =	smin.u32 s1, $0x7F;
	p0 =	sgt.s32 s5, $0x0;
	s3 =	smin.u32 s3, $0x7F  }
0x78: {  	s1 =	sshll.u32 s1, $0xE;
	s5 =	simm.s32 @!p0 $0x0;
	s3 =	sshll.u32 s3, $0x7  }
0x79: {  	s29 =	smin.u32 s5, $0x7F;
	s1 =	sor.u32 s1, s3  }
0x7a: {  	s3 =	sshll.u32 s29, $0x4;
	s1 =	sor.u32 s29, s1  }
0x7b: {  	s28 =	rddreg [dreg:$0x4];
	s3 =	sand.u32 $0x1F0, s3;
	s1 =	sshll.u32 s1, $0x4  }
0x7c: {  	s30 =	sshra.s32 s23, $0x2;
	s3 =	sadd.s32 s28, s3;
	s1 =	sand.u32 $0x1FFFE00, s1  }
0x7d: {  	s5 =	sadd.s32 $0xC00, s30;
	s1 =	sadd.s32 s1, s3  }
0x7e: {  	[tilespmem:s5], [sflag:$0x4] =	stream.linear.gather [hbm4b:s1+s2], $0x80, $0x38;
	[tilespmem:$0x10C00] =	vst v63  }
0x7f: {  	_ =	swait.ge [sflag:s0], $0x80  }
0x80: {  	s1 =	simm.s32 $0x1FF;
	[sflag:s0] =	ssyncset.done $0x0  }
.LBB2_4:
0x81: {  	p0 =	sne.s32 s1, $0x1;
	s1 =	sadd.s32 $0xFFFFFFFF, s1;
	[sflag:s0] =	ssyncadd.s32 $0xFFFFFF80  }
.Ltmp1:
0x82: {  	(pc) =	sbr.rel @p0 .LBB2_4-.Ltmp1, $3  }
0x83: {  	_ =	sdelay $0x1  }
0x84: {  	_ =	swait.ge [sflag:s0], $0x80  }
0x85: {  	[sflag:s0] =	ssyncset.done $0x0  }
0x86: {  	[sflag:s0] =	ssyncadd.s32 $0xFFFFFF80;
	s1 =	rddreg [dreg:$0x6];
	s3 =	simm.s32 $0xC00  }
0x87: {  	[hbm4b:s1+s2] =	stream.linear.scatter [tilespmem:s3], [sflag:$0x5], $0x10000, $0x38;
	[tilespmem:$0x10C00] =	vst v63  }
0x88: {  	_ =	swait.ge [sflag:s21], $0x10000  }
0x89: {  	s22 =	sadd.s32 $0x1, s22;
	s30 =	rddreg [dreg:$0x7]  }
0x8a: {  	p0 =	sne.s32 s22, s30  }
.Ltmp2:
0x8b: {  	_ = 	snop;
	(pc) =	sbr.rel @p0 .LBB2_1-.Ltmp2, $3  }
0x8c: {  	_ =	sdelay $0x1  }
0x8d: {  	[sflag:s21] =	ssyncset.done $0x0  }
0x8e: {  	[sflag:s21] =	ssyncadd.s32 $0xFFFF0000  }
0x8f: {  	_ =	sfence.sel $0x180000  }
0x90: {  	[bflag:$0x0] =	sbarrier.arrive $0xFFFF  }
0x91: {  	_ =	strace $0x90000047  }
0x92: {  	s0 =	stileid.u32;
	[bflag:$0x2] =	sbarrier.arrive $0xFFFF  }
0x93: {  	p0 =	sne.s32 s0, $0x0;
	s0 =	rddreg [dreg:$0x3]  }
0x94: {  	s0 =	sadd.s32 @!p0 $0x100000, s0  }
0x95: {  	[sflag:s0] =	ssyncadd.tile.s32 @!p0 $0x1;
	_ =	shalt  }
.Lfunc_end2:
_tile_overlayer_lowered:
.L_overlay_start_2:
0x96: {  	(tag) =	ssettag $0x2  }
0x97: {  	s0 =	rddreg [dreg:$0x0];
	s2 =	stileid.u32  }
0x98: {  	s1 =	rddreg [dreg:$0x1];
	p0 =	sne.s32 s2, $0x0  }
0x99: {  	s3 =	rddreg [dreg:$0x2];
	[bflag:$0x3] =	sbarrier.arrive $0xFFFF;
	s2 =	simm.s32 @!p0 $0x1C06  }
0x9a: {  	[timem:s3], [sflag:s2] =	dma.local @!p0 [hbm:s0], s1  }
0x9b: {  	s0 =	simm.s32 @!p0 $0x6  }
0x9c: {  	_ =	swait.ge @!p0 [sflag:s0], s1  }
0x9d: {  	s1 =	ssub.s32 @!p0 $0x0, s1;
	[sflag:s0] =	ssyncset.done @!p0 $0x0  }
0x9e: {  	[sflag:s0] =	ssyncadd.s32 @!p0 s1  }
0x9f: {  	[bflag:$0x3] =	sbarrier.arrive $0xFFFF  }
0xa0: {  	_ =	shalt  }

</sc_bundles>
